<compile_context>
chip_gen: v7x
topology: tpu7x:2x2x1
jax: 0.10.2.dev20260603
libtpu: 0.0.44.dev20260713+nightly
codegen_flags: <defaults>
</compile_context>

<pallas_src>
import functools

import jax
import jax.numpy as jnp
from jax import lax
from jax.experimental import pallas as pl
from jax.experimental.pallas import tpu as pltpu
from jax.experimental.pallas import tpu_sc as plsc

B, N, V, DIN, DOUT = 4096, 50, 1000000, 64, 64
_EW = 128

_TCB = 6144


def _tr_body(wt_ref, wp_ref):
    wp_ref[:, :DIN] = wt_ref[...].T


def _tc_transpose(wt):
    grid = ((V + _TCB - 1) // _TCB,)
    return pl.pallas_call(
        _tr_body,
        grid=grid,
        in_specs=[pl.BlockSpec((DIN, _TCB), lambda i: (0, i))],
        out_specs=pl.BlockSpec((_TCB, _EW), lambda i: (i, 0)),
        out_shape=jax.ShapeDtypeStruct((V, _EW), jnp.float32),
    )(wt)


_NC, _NS = 2, 16
_NW = _NC * _NS
_ROWS = B * N
_PER_W = _ROWS // _NW
_CHUNK = 128
_NCHUNK = _PER_W // _CHUNK


@functools.cache
def _make_sc_gather():
    mesh = plsc.VectorSubcoreMesh(core_axis_name="c", subcore_axis_name="s")

    @functools.partial(
        pl.kernel,
        mesh=mesh,
        compiler_params=pltpu.CompilerParams(
            use_tc_tiling_on_sc=True, needs_layout_passes=False
        ),
        out_type=jax.ShapeDtypeStruct((_ROWS, _EW), jnp.float32),
        scratch_types=[
            pltpu.VMEM((_PER_W,), jnp.int32),
            pltpu.VMEM((2, _CHUNK, _EW), jnp.float32),
            pltpu.SemaphoreType.DMA,
            pltpu.SemaphoreType.DMA,
        ],
    )
    def _sc_gather(x_hbm, wp_hbm, out_hbm, xv, rows_v, sem0, sem1):
        wid = lax.axis_index("s") * _NC + lax.axis_index("c")
        pltpu.sync_copy(x_hbm.at[wid], xv)
        base = wid * _PER_W
        sems = (sem0, sem1)

        def gdesc(j, slot):
            return pltpu.make_async_copy(
                wp_hbm.at[xv.at[pl.ds(j * _CHUNK, _CHUNK)]],
                rows_v.at[slot],
                sems[slot],
            )

        gdesc(0, 0).start()
        gdesc(1, 1).start()

        def body(g, carry):
            for slot in range(2):
                j = 2 * g + slot
                gdesc(j, slot).wait()
                pltpu.sync_copy(
                    rows_v.at[slot],
                    out_hbm.at[pl.ds(base + j * _CHUNK, _CHUNK)],
                )

                @pl.when(j + 2 < _NCHUNK)
                def _():
                    gdesc(j + 2, slot).start()

            return carry

        lax.fori_loop(0, _NCHUNK // 2, body, 0)

    return _sc_gather


_BB = 128
_TR = _BB * N


def _tc_body(e_ref, p_ref, sq_ref, w1_ref, b1_ref, w2_ref, b2_ref, o_ref):
    e = e_ref[:, :DIN]
    h = jnp.maximum(
        jnp.dot(e, w1_ref[...], preferred_element_type=jnp.float32)
        + b1_ref[...],
        0.0,
    )
    pooled = jnp.dot(p_ref[...], h, preferred_element_type=jnp.float32)
    y = jnp.dot(pooled, w2_ref[...], preferred_element_type=jnp.float32)
    o_ref[...] = y / sq_ref[...] + b2_ref[...]


def _tc_mlp(e2, pmat, sq2, W1, b1, W2, b2):
    nb = B // _BB
    return pl.pallas_call(
        _tc_body,
        grid=(nb,),
        in_specs=[
            pl.BlockSpec((_TR, _EW), lambda i: (i, 0)),
            pl.BlockSpec((_BB, _TR), lambda i: (0, 0)),
            pl.BlockSpec((_BB, 1), lambda i: (i, 0)),
            pl.BlockSpec((DIN, DOUT), lambda i: (0, 0)),
            pl.BlockSpec((1, DOUT), lambda i: (0, 0)),
            pl.BlockSpec((DOUT, DOUT), lambda i: (0, 0)),
            pl.BlockSpec((1, DOUT), lambda i: (0, 0)),
        ],
        out_specs=pl.BlockSpec((_BB, DOUT), lambda i: (i, 0)),
        out_shape=jax.ShapeDtypeStruct((B, DOUT), jnp.float32),
    )(e2, pmat, sq2, W1, b1, W2, b2)


def kernel(x, sq_lengths, weight, W1, b1, W2, b2):
    wp = _tc_transpose(weight.T)
    x2 = x.reshape(_NW, _PER_W)
    e2 = _make_sc_gather()(x2, wp)
    pmat = (
        jnp.arange(_BB, dtype=jnp.int32)[:, None]
        == (jnp.arange(_TR, dtype=jnp.int32)[None, :] // N)
    ).astype(jnp.float32)
    return _tc_mlp(
        e2,
        pmat,
        sq_lengths.reshape(B, 1),
        W1,
        b1.reshape(1, DOUT),
        W2,
        b2.reshape(1, DOUT),
    )

# --- scband reference (transcript-rebuilt; emitter-appended) ---
"""Pipeline reference for scband-logistic-set-transformer-66460323938618 (READ-ONLY COPY).

The authoritative reference and input builder live on the scoring server;
editing this copy changes nothing except your own understanding.
"""

import jax, jax.numpy as jnp
import numpy as np

B, N, V, DIN, DOUT = 4096, 50, 1000000, 64, 64

def setup_inputs(seed: int = 0) -> dict:
    key = jax.random.key(seed)
    ks = jax.random.split(key, 6)
    x = jax.random.randint(ks[0], (B, N), 0, V, dtype=jnp.int32)
    sq_lengths = jnp.ones((B,), dtype=jnp.float32)
    weight = jax.random.normal(ks[1], (V, DIN), dtype=jnp.float32) * 0.02
    W1 = jax.random.normal(ks[2], (DIN, DOUT), dtype=jnp.float32) * 0.05
    b1 = jnp.zeros((DOUT,), dtype=jnp.float32)
    W2 = jax.random.normal(ks[3], (DOUT, DOUT), dtype=jnp.float32) * 0.05
    b2 = jnp.zeros((DOUT,), dtype=jnp.float32)
    return {"x": x, "sq_lengths": sq_lengths, "weight": weight, "W1": W1, "b1": b1, "W2": W2, "b2": b2}

def reference(x, sq_lengths, weight, W1, b1, W2, b2):
    # embedding lookup (frozen pretrained table)
    emb = jnp.take(weight, x, axis=0)            # [B, N, DIN]
    # per-ingredient MLP: Linear + ReLU
    h = jax.nn.relu(emb @ W1 + b1)               # [B, N, DOUT]
    # average pooling over actual set lengths
    pooled = jnp.sum(h, axis=1) / sq_lengths[:, None]  # [B, DOUT]
    # final predictor projection
    y = pooled @ W2 + b2                          # [B, DOUT]
    return y

if __name__ == "__main__":
    import jax
    _d = setup_inputs()
    print(jax.jit(kernel)(*tuple(_d.values())))

</pallas_src>

<mosaic_0001>
#map = affine_map<(d0, d1) -> (0, 0)>
module attributes {stable_mosaic.version = 14 : i64} {
  func.func @_sc_gather(%arg0: i32, %arg1: i32, %arg2: memref<32x6400xi32, #tpu.memory_space<hbm>>, %arg3: memref<1000000x128xf32, #tpu.memory_space<hbm>>, %arg4: memref<204800x128xf32, #tpu.memory_space<hbm>>, %arg5: memref<6400xi32, #tpu.memory_space<vmem>>, %arg6: memref<2x128x128xf32, #tpu.memory_space<vmem>>, %arg7: memref<!tpu.dma_semaphore, #tpu.memory_space<semaphore_mem>>, %arg8: memref<!tpu.dma_semaphore, #tpu.memory_space<semaphore_mem>>) attributes {dimension_semantics = [#tpu.dimension_semantics<core_parallel>, #tpu.dimension_semantics<subcore_parallel>], iteration_bounds = array<i64: 2, 16>, scalar_prefetch = 0 : i64, scratch_operands = 4 : i64, tpu.core_type = #tpu.core_type<sc_vector_subcore>, window_params = [{transform_indices = #map}, {transform_indices = #map}, {transform_indices = #map}]} {
    %mul3A = arith.constant 2 : i32
    %mul3A_0 = arith.muli %arg1, %mul3A : i32
    %add3A = arith.addi %mul3A_0, %arg0 : i32
    "tpu.region"() ({
      %run_scoped3A = tpu.sem_alloc : memref<!tpu.dma_semaphore, #tpu.memory_space<semaphore_mem>>
      %dma_start3A_27 = arith.constant 0 : i32
      %dma_start3A_28 = tpu.memref_slice %arg2[%add3A, %dma_start3A_27] : memref<32x6400xi32, #tpu.memory_space<hbm>> -> memref<1x6400xi32, #tpu.memory_space<hbm>>
      %dma_start3A_29 = tpu.memref_squeeze %dma_start3A_28 : memref<1x6400xi32, #tpu.memory_space<hbm>> -> memref<6400xi32, #tpu.memory_space<hbm>>
      %dma_start3A_30 = arith.constant 0 : i32
      %dma_start3A_31 = tpu.memref_slice %arg2[%add3A, %dma_start3A_30] : memref<32x6400xi32, #tpu.memory_space<hbm>> -> memref<1x6400xi32, #tpu.memory_space<hbm>>
      %dma_start3A_32 = tpu.memref_squeeze %dma_start3A_31 : memref<1x6400xi32, #tpu.memory_space<hbm>> -> memref<6400xi32, #tpu.memory_space<hbm>>
      tpu.enqueue_dma source(%dma_start3A_32 : memref<6400xi32, #tpu.memory_space<hbm>>) target(%arg5 : memref<6400xi32, #tpu.memory_space<vmem>>) target_semaphore(%run_scoped3A : memref<!tpu.dma_semaphore, #tpu.memory_space<semaphore_mem>>)
      %dma_wait3A = arith.constant 0 : i32
      %dma_wait3A_33 = tpu.memref_slice %arg2[%add3A, %dma_wait3A] : memref<32x6400xi32, #tpu.memory_space<hbm>> -> memref<1x6400xi32, #tpu.memory_space<hbm>>
      %dma_wait3A_34 = tpu.memref_squeeze %dma_wait3A_33 : memref<1x6400xi32, #tpu.memory_space<hbm>> -> memref<6400xi32, #tpu.memory_space<hbm>>
      %dma_wait3A_35 = arith.constant 0 : i32
      %dma_wait3A_36 = tpu.memref_slice %arg2[%add3A, %dma_wait3A_35] : memref<32x6400xi32, #tpu.memory_space<hbm>> -> memref<1x6400xi32, #tpu.memory_space<hbm>>
      %dma_wait3A_37 = tpu.memref_squeeze %dma_wait3A_36 : memref<1x6400xi32, #tpu.memory_space<hbm>> -> memref<6400xi32, #tpu.memory_space<hbm>>
      tpu.wait_dma2 semaphore(%run_scoped3A : memref<!tpu.dma_semaphore, #tpu.memory_space<semaphore_mem>>) src(%dma_wait3A_37 : memref<6400xi32, #tpu.memory_space<hbm>>) dst(%arg5 : memref<6400xi32, #tpu.memory_space<vmem>>)
      tpu.yield
    }) : () -> ()
    %mul3A_1 = arith.constant 6400 : i32
    %mul3A_2 = arith.muli %add3A, %mul3A_1 : i32
    %dma_start3A = arith.constant 0 : i32
    %dma_start3A_3 = arith.constant 0 : i32
    %dma_start3A_4 = arith.constant 0 : i32
    %dma_start3A_5 = tpu.memref_slice %arg6[%dma_start3A, %dma_start3A_3, %dma_start3A_4] : memref<2x128x128xf32, #tpu.memory_space<vmem>> -> memref<1x128x128xf32, #tpu.memory_space<vmem>>
    %dma_start3A_6 = tpu.memref_squeeze %dma_start3A_5 : memref<1x128x128xf32, #tpu.memory_space<vmem>> -> memref<128x128xf32, #tpu.memory_space<vmem>>
    %dma_start3A_7 = arith.constant 0 : i32
    %dma_start3A_8 = tpu.memref_slice %arg5[%dma_start3A_7] : memref<6400xi32, #tpu.memory_space<vmem>> -> memref<128xi32, #tpu.memory_space<vmem>>
    %dma_start3A_9 = arith.constant 0 : i32
    %dma_start3A_10 = arith.constant 0 : i32
    %dma_start3A_11 = tpu.memref_slice %arg3[%dma_start3A_9, %dma_start3A_10] : memref<1000000x128xf32, #tpu.memory_space<hbm>> -> memref<1000000x128xf32, #tpu.memory_space<hbm>>
    tpu.enqueue_indirect_dma source(%dma_start3A_11 : memref<1000000x128xf32, #tpu.memory_space<hbm>>) target(%dma_start3A_6 : memref<128x128xf32, #tpu.memory_space<vmem>>) offsets(%dma_start3A_8 : memref<128xi32, #tpu.memory_space<vmem>>) semaphore(%arg7 : memref<!tpu.dma_semaphore, #tpu.memory_space<semaphore_mem>>)
    %dma_start3A_12 = arith.constant 1 : i32
    %dma_start3A_13 = arith.constant 0 : i32
    %dma_start3A_14 = arith.constant 0 : i32
    %dma_start3A_15 = tpu.memref_slice %arg6[%dma_start3A_12, %dma_start3A_13, %dma_start3A_14] : memref<2x128x128xf32, #tpu.memory_space<vmem>> -> memref<1x128x128xf32, #tpu.memory_space<vmem>>
    %dma_start3A_16 = tpu.memref_squeeze %dma_start3A_15 : memref<1x128x128xf32, #tpu.memory_space<vmem>> -> memref<128x128xf32, #tpu.memory_space<vmem>>
    %dma_start3A_17 = arith.constant 128 : i32
    %dma_start3A_18 = tpu.memref_slice %arg5[%dma_start3A_17] : memref<6400xi32, #tpu.memory_space<vmem>> -> memref<128xi32, #tpu.memory_space<vmem>>
    %dma_start3A_19 = arith.constant 0 : i32
    %dma_start3A_20 = arith.constant 0 : i32
    %dma_start3A_21 = tpu.memref_slice %arg3[%dma_start3A_19, %dma_start3A_20] : memref<1000000x128xf32, #tpu.memory_space<hbm>> -> memref<1000000x128xf32, #tpu.memory_space<hbm>>
    tpu.enqueue_indirect_dma source(%dma_start3A_21 : memref<1000000x128xf32, #tpu.memory_space<hbm>>) target(%dma_start3A_16 : memref<128x128xf32, #tpu.memory_space<vmem>>) offsets(%dma_start3A_18 : memref<128xi32, #tpu.memory_space<vmem>>) semaphore(%arg8 : memref<!tpu.dma_semaphore, #tpu.memory_space<semaphore_mem>>)
    %scan3A = arith.constant 0 : i32
    %scan3A_22 = arith.constant 0 : i32
    %scan3A_23 = arith.constant 25 : i32
    %scan3A_24 = arith.addi %scan3A_22, %scan3A_23 : i32
    %scan3A_25 = arith.constant 1 : i32
    scf.for %scan3A_27 = %scan3A_22 to %scan3A_24 step %scan3A_25  : i32 {
      %mul3A_28 = arith.constant 2 : i32
      %mul3A_29 = arith.muli %mul3A_28, %scan3A_27 : i32
      %add3A_30 = arith.constant 0 : i32
      %add3A_31 = arith.addi %mul3A_29, %add3A_30 : i32
      %mul3A_32 = arith.constant 128 : i32
      %mul3A_33 = arith.muli %add3A_31, %mul3A_32 : i32
      %dma_wait3A = arith.constant 0 : i32
      %dma_wait3A_34 = arith.constant 0 : i32
      %dma_wait3A_35 = arith.constant 0 : i32
      %dma_wait3A_36 = tpu.memref_slice %arg6[%dma_wait3A, %dma_wait3A_34, %dma_wait3A_35] : memref<2x128x128xf32, #tpu.memory_space<vmem>> -> memref<1x128x128xf32, #tpu.memory_space<vmem>>
      %dma_wait3A_37 = tpu.memref_squeeze %dma_wait3A_36 : memref<1x128x128xf32, #tpu.memory_space<vmem>> -> memref<128x128xf32, #tpu.memory_space<vmem>>
      %dma_wait3A_38 = tpu.memref_slice %arg5[%mul3A_33] : memref<6400xi32, #tpu.memory_space<vmem>> -> memref<128xi32, #tpu.memory_space<vmem>>
      %dma_wait3A_39 = arith.constant 0 : i32
      %dma_wait3A_40 = arith.constant 0 : i32
      %dma_wait3A_41 = tpu.memref_slice %arg3[%dma_wait3A_39, %dma_wait3A_40] : memref<1000000x128xf32, #tpu.memory_space<hbm>> -> memref<1000000x128xf32, #tpu.memory_space<hbm>>
      tpu.wait_indirect_dma semaphore(%arg7 : memref<!tpu.dma_semaphore, #tpu.memory_space<semaphore_mem>>) src(%dma_wait3A_41 : memref<1000000x128xf32, #tpu.memory_space<hbm>>) dst(%dma_wait3A_37 : memref<128x128xf32, #tpu.memory_space<vmem>>)
      %mul3A_42 = arith.constant 128 : i32
      %mul3A_43 = arith.muli %add3A_31, %mul3A_42 : i32
      %add3A_44 = arith.addi %mul3A_2, %mul3A_43 : i32
      %run_scoped3A = arith.constant 0 : i32
      "tpu.region"() ({
        %run_scoped3A_75 = tpu.sem_alloc : memref<!tpu.dma_semaphore, #tpu.memory_space<semaphore_mem>>
        %dma_start3A_76 = arith.constant 0 : i32
        %dma_start3A_77 = arith.constant 0 : i32
        %dma_start3A_78 = tpu.memref_slice %arg6[%run_scoped3A, %dma_start3A_76, %dma_start3A_77] : memref<2x128x128xf32, #tpu.memory_space<vmem>> -> memref<1x128x128xf32, #tpu.memory_space<vmem>>
        %dma_start3A_79 = tpu.memref_squeeze %dma_start3A_78 : memref<1x128x128xf32, #tpu.memory_space<vmem>> -> memref<128x128xf32, #tpu.memory_space<vmem>>
        %dma_start3A_80 = arith.constant 0 : i32
        %dma_start3A_81 = tpu.memref_slice %arg4[%add3A_44, %dma_start3A_80] : memref<204800x128xf32, #tpu.memory_space<hbm>> -> memref<128x128xf32, #tpu.memory_space<hbm>>
        %dma_start3A_82 = arith.constant 0 : i32
        %dma_start3A_83 = tpu.memref_slice %arg4[%add3A_44, %dma_start3A_82] : memref<204800x128xf32, #tpu.memory_space<hbm>> -> memref<128x128xf32, #tpu.memory_space<hbm>>
        %dma_start3A_84 = arith.constant 0 : i32
        %dma_start3A_85 = arith.constant 0 : i32
        %dma_start3A_86 = tpu.memref_slice %arg6[%run_scoped3A, %dma_start3A_84, %dma_start3A_85] : memref<2x128x128xf32, #tpu.memory_space<vmem>> -> memref<1x128x128xf32, #tpu.memory_space<vmem>>
        %dma_start3A_87 = tpu.memref_squeeze %dma_start3A_86 : memref<1x128x128xf32, #tpu.memory_space<vmem>> -> memref<128x128xf32, #tpu.memory_space<vmem>>
        tpu.enqueue_dma source(%dma_start3A_87 : memref<128x128xf32, #tpu.memory_space<vmem>>) target(%dma_start3A_83 : memref<128x128xf32, #tpu.memory_space<hbm>>) target_semaphore(%run_scoped3A_75 : memref<!tpu.dma_semaphore, #tpu.memory_space<semaphore_mem>>)
        %dma_wait3A_88 = arith.constant 0 : i32
        %dma_wait3A_89 = arith.constant 0 : i32
        %dma_wait3A_90 = tpu.memref_slice %arg6[%run_scoped3A, %dma_wait3A_88, %dma_wait3A_89] : memref<2x128x128xf32, #tpu.memory_space<vmem>> -> memref<1x128x128xf32, #tpu.memory_space<vmem>>
        %dma_wait3A_91 = tpu.memref_squeeze %dma_wait3A_90 : memref<1x128x128xf32, #tpu.memory_space<vmem>> -> memref<128x128xf32, #tpu.memory_space<vmem>>
        %dma_wait3A_92 = arith.constant 0 : i32
        %dma_wait3A_93 = tpu.memref_slice %arg4[%add3A_44, %dma_wait3A_92] : memref<204800x128xf32, #tpu.memory_space<hbm>> -> memref<128x128xf32, #tpu.memory_space<hbm>>
        %dma_wait3A_94 = arith.constant 0 : i32
        %dma_wait3A_95 = tpu.memref_slice %arg4[%add3A_44, %dma_wait3A_94] : memref<204800x128xf32, #tpu.memory_space<hbm>> -> memref<128x128xf32, #tpu.memory_space<hbm>>
        %dma_wait3A_96 = arith.constant 0 : i32
        %dma_wait3A_97 = arith.constant 0 : i32
        %dma_wait3A_98 = tpu.memref_slice %arg6[%run_scoped3A, %dma_wait3A_96, %dma_wait3A_97] : memref<2x128x128xf32, #tpu.memory_space<vmem>> -> memref<1x128x128xf32, #tpu.memory_space<vmem>>
        %dma_wait3A_99 = tpu.memref_squeeze %dma_wait3A_98 : memref<1x128x128xf32, #tpu.memory_space<vmem>> -> memref<128x128xf32, #tpu.memory_space<vmem>>
        tpu.wait_dma2 semaphore(%run_scoped3A_75 : memref<!tpu.dma_semaphore, #tpu.memory_space<semaphore_mem>>) src(%dma_wait3A_99 : memref<128x128xf32, #tpu.memory_space<vmem>>) dst(%dma_wait3A_95 : memref<128x128xf32, #tpu.memory_space<hbm>>)
        tpu.yield
      }) : () -> ()
      %add3A_45 = arith.constant 2 : i32
      %add3A_46 = arith.addi %add3A_31, %add3A_45 : i32
      %lt3A = arith.constant 50 : i32
      %lt3A_47 = arith.cmpi slt, %add3A_46, %lt3A : i32
      %convert_element_type3A = arith.extui %lt3A_47 : i1 to i32
      %cond3A = arith.constant 0 : i32
      %cond3A_48 = arith.cmpi ne, %convert_element_type3A, %cond3A : i32
      scf.if %cond3A_48 {
        %add3A_75 = arith.constant 2 : i32
        %add3A_76 = arith.addi %add3A_31, %add3A_75 : i32
        %mul3A_77 = arith.constant 128 : i32
        %mul3A_78 = arith.muli %add3A_76, %mul3A_77 : i32
        %dma_start3A_79 = arith.constant 0 : i32
        %dma_start3A_80 = arith.constant 0 : i32
        %dma_start3A_81 = arith.constant 0 : i32
        %dma_start3A_82 = tpu.memref_slice %arg6[%dma_start3A_79, %dma_start3A_80, %dma_start3A_81] : memref<2x128x128xf32, #tpu.memory_space<vmem>> -> memref<1x128x128xf32, #tpu.memory_space<vmem>>
        %dma_start3A_83 = tpu.memref_squeeze %dma_start3A_82 : memref<1x128x128xf32, #tpu.memory_space<vmem>> -> memref<128x128xf32, #tpu.memory_space<vmem>>
        %dma_start3A_84 = tpu.memref_slice %arg5[%mul3A_78] : memref<6400xi32, #tpu.memory_space<vmem>> -> memref<128xi32, #tpu.memory_space<vmem>>
        %dma_start3A_85 = arith.constant 0 : i32
        %dma_start3A_86 = arith.constant 0 : i32
        %dma_start3A_87 = tpu.memref_slice %arg3[%dma_start3A_85, %dma_start3A_86] : memref<1000000x128xf32, #tpu.memory_space<hbm>> -> memref<1000000x128xf32, #tpu.memory_space<hbm>>
        tpu.enqueue_indirect_dma source(%dma_start3A_87 : memref<1000000x128xf32, #tpu.memory_space<hbm>>) target(%dma_start3A_83 : memref<128x128xf32, #tpu.memory_space<vmem>>) offsets(%dma_start3A_84 : memref<128xi32, #tpu.memory_space<vmem>>) semaphore(%arg7 : memref<!tpu.dma_semaphore, #tpu.memory_space<semaphore_mem>>)
      } else {
      }
      %mul3A_49 = arith.constant 2 : i32
      %mul3A_50 = arith.muli %mul3A_49, %scan3A_27 : i32
      %add3A_51 = arith.constant 1 : i32
      %add3A_52 = arith.addi %mul3A_50, %add3A_51 : i32
      %mul3A_53 = arith.constant 128 : i32
      %mul3A_54 = arith.muli %add3A_52, %mul3A_53 : i32
      %dma_wait3A_55 = arith.constant 1 : i32
      %dma_wait3A_56 = arith.constant 0 : i32
      %dma_wait3A_57 = arith.constant 0 : i32
      %dma_wait3A_58 = tpu.memref_slice %arg6[%dma_wait3A_55, %dma_wait3A_56, %dma_wait3A_57] : memref<2x128x128xf32, #tpu.memory_space<vmem>> -> memref<1x128x128xf32, #tpu.memory_space<vmem>>
      %dma_wait3A_59 = tpu.memref_squeeze %dma_wait3A_58 : memref<1x128x128xf32, #tpu.memory_space<vmem>> -> memref<128x128xf32, #tpu.memory_space<vmem>>
      %dma_wait3A_60 = tpu.memref_slice %arg5[%mul3A_54] : memref<6400xi32, #tpu.memory_space<vmem>> -> memref<128xi32, #tpu.memory_space<vmem>>
      %dma_wait3A_61 = arith.constant 0 : i32
      %dma_wait3A_62 = arith.constant 0 : i32
      %dma_wait3A_63 = tpu.memref_slice %arg3[%dma_wait3A_61, %dma_wait3A_62] : memref<1000000x128xf32, #tpu.memory_space<hbm>> -> memref<1000000x128xf32, #tpu.memory_space<hbm>>
      tpu.wait_indirect_dma semaphore(%arg8 : memref<!tpu.dma_semaphore, #tpu.memory_space<semaphore_mem>>) src(%dma_wait3A_63 : memref<1000000x128xf32, #tpu.memory_space<hbm>>) dst(%dma_wait3A_59 : memref<128x128xf32, #tpu.memory_space<vmem>>)
      %mul3A_64 = arith.constant 128 : i32
      %mul3A_65 = arith.muli %add3A_52, %mul3A_64 : i32
      %add3A_66 = arith.addi %mul3A_2, %mul3A_65 : i32
      %run_scoped3A_67 = arith.constant 1 : i32
      "tpu.region"() ({
        %run_scoped3A_75 = tpu.sem_alloc : memref<!tpu.dma_semaphore, #tpu.memory_space<semaphore_mem>>
        %dma_start3A_76 = arith.constant 0 : i32
        %dma_start3A_77 = arith.constant 0 : i32
        %dma_start3A_78 = tpu.memref_slice %arg6[%run_scoped3A_67, %dma_start3A_76, %dma_start3A_77] : memref<2x128x128xf32, #tpu.memory_space<vmem>> -> memref<1x128x128xf32, #tpu.memory_space<vmem>>
        %dma_start3A_79 = tpu.memref_squeeze %dma_start3A_78 : memref<1x128x128xf32, #tpu.memory_space<vmem>> -> memref<128x128xf32, #tpu.memory_space<vmem>>
        %dma_start3A_80 = arith.constant 0 : i32
        %dma_start3A_81 = tpu.memref_slice %arg4[%add3A_66, %dma_start3A_80] : memref<204800x128xf32, #tpu.memory_space<hbm>> -> memref<128x128xf32, #tpu.memory_space<hbm>>
        %dma_start3A_82 = arith.constant 0 : i32
        %dma_start3A_83 = tpu.memref_slice %arg4[%add3A_66, %dma_start3A_82] : memref<204800x128xf32, #tpu.memory_space<hbm>> -> memref<128x128xf32, #tpu.memory_space<hbm>>
        %dma_start3A_84 = arith.constant 0 : i32
        %dma_start3A_85 = arith.constant 0 : i32
        %dma_start3A_86 = tpu.memref_slice %arg6[%run_scoped3A_67, %dma_start3A_84, %dma_start3A_85] : memref<2x128x128xf32, #tpu.memory_space<vmem>> -> memref<1x128x128xf32, #tpu.memory_space<vmem>>
        %dma_start3A_87 = tpu.memref_squeeze %dma_start3A_86 : memref<1x128x128xf32, #tpu.memory_space<vmem>> -> memref<128x128xf32, #tpu.memory_space<vmem>>
        tpu.enqueue_dma source(%dma_start3A_87 : memref<128x128xf32, #tpu.memory_space<vmem>>) target(%dma_start3A_83 : memref<128x128xf32, #tpu.memory_space<hbm>>) target_semaphore(%run_scoped3A_75 : memref<!tpu.dma_semaphore, #tpu.memory_space<semaphore_mem>>)
        %dma_wait3A_88 = arith.constant 0 : i32
        %dma_wait3A_89 = arith.constant 0 : i32
        %dma_wait3A_90 = tpu.memref_slice %arg6[%run_scoped3A_67, %dma_wait3A_88, %dma_wait3A_89] : memref<2x128x128xf32, #tpu.memory_space<vmem>> -> memref<1x128x128xf32, #tpu.memory_space<vmem>>
        %dma_wait3A_91 = tpu.memref_squeeze %dma_wait3A_90 : memref<1x128x128xf32, #tpu.memory_space<vmem>> -> memref<128x128xf32, #tpu.memory_space<vmem>>
        %dma_wait3A_92 = arith.constant 0 : i32
        %dma_wait3A_93 = tpu.memref_slice %arg4[%add3A_66, %dma_wait3A_92] : memref<204800x128xf32, #tpu.memory_space<hbm>> -> memref<128x128xf32, #tpu.memory_space<hbm>>
        %dma_wait3A_94 = arith.constant 0 : i32
        %dma_wait3A_95 = tpu.memref_slice %arg4[%add3A_66, %dma_wait3A_94] : memref<204800x128xf32, #tpu.memory_space<hbm>> -> memref<128x128xf32, #tpu.memory_space<hbm>>
        %dma_wait3A_96 = arith.constant 0 : i32
        %dma_wait3A_97 = arith.constant 0 : i32
        %dma_wait3A_98 = tpu.memref_slice %arg6[%run_scoped3A_67, %dma_wait3A_96, %dma_wait3A_97] : memref<2x128x128xf32, #tpu.memory_space<vmem>> -> memref<1x128x128xf32, #tpu.memory_space<vmem>>
        %dma_wait3A_99 = tpu.memref_squeeze %dma_wait3A_98 : memref<1x128x128xf32, #tpu.memory_space<vmem>> -> memref<128x128xf32, #tpu.memory_space<vmem>>
        tpu.wait_dma2 semaphore(%run_scoped3A_75 : memref<!tpu.dma_semaphore, #tpu.memory_space<semaphore_mem>>) src(%dma_wait3A_99 : memref<128x128xf32, #tpu.memory_space<vmem>>) dst(%dma_wait3A_95 : memref<128x128xf32, #tpu.memory_space<hbm>>)
        tpu.yield
      }) : () -> ()
      %add3A_68 = arith.constant 2 : i32
      %add3A_69 = arith.addi %add3A_52, %add3A_68 : i32
      %lt3A_70 = arith.constant 50 : i32
      %lt3A_71 = arith.cmpi slt, %add3A_69, %lt3A_70 : i32
      %convert_element_type3A_72 = arith.extui %lt3A_71 : i1 to i32
      %cond3A_73 = arith.constant 0 : i32
      %cond3A_74 = arith.cmpi ne, %convert_element_type3A_72, %cond3A_73 : i32
      scf.if %cond3A_74 {
        %add3A_75 = arith.constant 2 : i32
        %add3A_76 = arith.addi %add3A_52, %add3A_75 : i32
        %mul3A_77 = arith.constant 128 : i32
        %mul3A_78 = arith.muli %add3A_76, %mul3A_77 : i32
        %dma_start3A_79 = arith.constant 1 : i32
        %dma_start3A_80 = arith.constant 0 : i32
        %dma_start3A_81 = arith.constant 0 : i32
        %dma_start3A_82 = tpu.memref_slice %arg6[%dma_start3A_79, %dma_start3A_80, %dma_start3A_81] : memref<2x128x128xf32, #tpu.memory_space<vmem>> -> memref<1x128x128xf32, #tpu.memory_space<vmem>>
        %dma_start3A_83 = tpu.memref_squeeze %dma_start3A_82 : memref<1x128x128xf32, #tpu.memory_space<vmem>> -> memref<128x128xf32, #tpu.memory_space<vmem>>
        %dma_start3A_84 = tpu.memref_slice %arg5[%mul3A_78] : memref<6400xi32, #tpu.memory_space<vmem>> -> memref<128xi32, #tpu.memory_space<vmem>>
        %dma_start3A_85 = arith.constant 0 : i32
        %dma_start3A_86 = arith.constant 0 : i32
        %dma_start3A_87 = tpu.memref_slice %arg3[%dma_start3A_85, %dma_start3A_86] : memref<1000000x128xf32, #tpu.memory_space<hbm>> -> memref<1000000x128xf32, #tpu.memory_space<hbm>>
        tpu.enqueue_indirect_dma source(%dma_start3A_87 : memref<1000000x128xf32, #tpu.memory_space<hbm>>) target(%dma_start3A_83 : memref<128x128xf32, #tpu.memory_space<vmem>>) offsets(%dma_start3A_84 : memref<128xi32, #tpu.memory_space<vmem>>) semaphore(%arg8 : memref<!tpu.dma_semaphore, #tpu.memory_space<semaphore_mem>>)
      } else {
      }
    }
    %scan3A_26 = arith.constant 25 : i32
    return
  }
}

module attributes {stable_mosaic.version = 14 : i64} {
  func.func @_tr_body(%arg0: i32, %arg1: memref<64x6144xf32, #tpu.memory_space<vmem>>, %arg2: memref<6144x128xf32, #tpu.memory_space<vmem>>) attributes {dimension_semantics = [#tpu.dimension_semantics<arbitrary>], iteration_bounds = array<i64: 163>, scalar_prefetch = 0 : i64, scratch_operands = 0 : i64, tpu.core_type = #tpu.core_type<tc>, window_params = [{transform_indices = @transform_0, window_bounds = array<i64: 64, 6144>}, {transform_indices = @transform_1, window_bounds = array<i64: 6144, 128>}]} {
    %get3A = arith.constant 0 : index
    %get3A_0 = arith.constant 0 : index
    %get3A_1 = vector.load %arg1[%get3A, %get3A_0] : memref<64x6144xf32, #tpu.memory_space<vmem>>, vector<64x6144xf32>
    %transpose3A = tpu.transpose %get3A_1, [1, 0] : vector<64x6144xf32> -> vector<6144x64xf32>
    %swap3A = arith.constant 0 : index
    %swap3A_2 = arith.constant 0 : index
    %swap3A_3 = vector.load %arg2[%swap3A, %swap3A_2] : memref<6144x128xf32, #tpu.memory_space<vmem>>, vector<6144x64xf32>
    tpu.vector_store %arg2[%swap3A, %swap3A_2], %transpose3A {strides = array<i32>} : memref<6144x128xf32, #tpu.memory_space<vmem>>, vector<6144x64xf32>,
    return
  }
  func.func @transform_0(%arg0: i32) -> (i32, i32) {
    %c0_i32 = arith.constant 0 : i32
    %c0_i32_0 = arith.constant 0 : i32
    return %c0_i32, %arg0 : i32, i32
  }
  func.func @transform_1(%arg0: i32) -> (i32, i32) {
    %c0_i32 = arith.constant 0 : i32
    %c0_i32_0 = arith.constant 0 : i32
    return %arg0, %c0_i32 : i32, i32
  }
}

module attributes {stable_mosaic.version = 14 : i64} {
  func.func @_tc_body(%arg0: i32, %arg1: memref<6400x128xf32, #tpu.memory_space<vmem>>, %arg2: memref<128x6400xf32, #tpu.memory_space<vmem>>, %arg3: memref<128x1xf32, #tpu.memory_space<vmem>>, %arg4: memref<64x64xf32, #tpu.memory_space<vmem>>, %arg5: memref<1x64xf32, #tpu.memory_space<vmem>>, %arg6: memref<64x64xf32, #tpu.memory_space<vmem>>, %arg7: memref<1x64xf32, #tpu.memory_space<vmem>>, %arg8: memref<128x64xf32, #tpu.memory_space<vmem>>) attributes {dimension_semantics = [#tpu.dimension_semantics<arbitrary>], iteration_bounds = array<i64: 32>, scalar_prefetch = 0 : i64, scratch_operands = 0 : i64, tpu.core_type = #tpu.core_type<tc>, window_params = [{transform_indices = @transform_0, window_bounds = array<i64: 6400, 128>}, {pipeline_mode = #tpu.pipeline_mode<synchronous>, transform_indices = @transform_1, window_bounds = array<i64: 128, 6400>}, {transform_indices = @transform_2, window_bounds = array<i64: 128, 1>}, {pipeline_mode = #tpu.pipeline_mode<synchronous>, transform_indices = @transform_3, window_bounds = array<i64: 64, 64>}, {pipeline_mode = #tpu.pipeline_mode<synchronous>, transform_indices = @transform_4, window_bounds = array<i64: 1, 64>}, {pipeline_mode = #tpu.pipeline_mode<synchronous>, transform_indices = @transform_5, window_bounds = array<i64: 64, 64>}, {pipeline_mode = #tpu.pipeline_mode<synchronous>, transform_indices = @transform_6, window_bounds = array<i64: 1, 64>}, {transform_indices = @transform_7, window_bounds = array<i64: 128, 64>}]} {
    %get3A = arith.constant 0 : index
    %get3A_0 = arith.constant 0 : index
    %get3A_1 = vector.load %arg1[%get3A, %get3A_0] : memref<6400x128xf32, #tpu.memory_space<vmem>>, vector<6400x64xf32>
    %get3A_2 = arith.constant 0 : index
    %get3A_3 = arith.constant 0 : index
    %get3A_4 = vector.load %arg4[%get3A_2, %get3A_3] : memref<64x64xf32, #tpu.memory_space<vmem>>, vector<64x64xf32>
    %dot_general3A = arith.constant dense<0.000000e+00> : vector<6400x64xf32>
    %dot_general3A_5 = tpu.matmul %get3A_1, %get3A_4, %dot_general3A {dimension_numbers = #tpu.dot_dimension_numbers<[1], [0], [0], [1], [0, 0, 1, 1], [], []>, transpose_lhs_hint = false} : vector<6400x64xf32>, vector<64x64xf32>, vector<6400x64xf32> -> vector<6400x64xf32>
    %get3A_6 = arith.constant 0 : index
    %get3A_7 = arith.constant 0 : index
    %get3A_8 = vector.load %arg5[%get3A_6, %get3A_7] : memref<1x64xf32, #tpu.memory_space<vmem>>, vector<1x64xf32>
    %add3A = vector.broadcast %get3A_8 : vector<1x64xf32> to vector<6400x64xf32>
    %add3A_9 = arith.addf %dot_general3A_5, %add3A : vector<6400x64xf32>
    %max3A = arith.constant 0.000000e+00 : f32
    %max3A_10 = vector.broadcast %max3A : f32 to vector<6400x64xf32>
    %max3A_11 = arith.maximumf %add3A_9, %max3A_10 : vector<6400x64xf32>
    %get3A_12 = arith.constant 0 : index
    %get3A_13 = arith.constant 0 : index
    %get3A_14 = vector.load %arg2[%get3A_12, %get3A_13] : memref<128x6400xf32, #tpu.memory_space<vmem>>, vector<128x6400xf32>
    %dot_general3A_15 = arith.constant dense<0.000000e+00> : vector<128x64xf32>
    %dot_general3A_16 = tpu.matmul %get3A_14, %max3A_11, %dot_general3A_15 {dimension_numbers = #tpu.dot_dimension_numbers<[1], [0], [0], [1], [0, 0, 1, 1], [], []>, transpose_lhs_hint = false} : vector<128x6400xf32>, vector<6400x64xf32>, vector<128x64xf32> -> vector<128x64xf32>
    %get3A_17 = arith.constant 0 : index
    %get3A_18 = arith.constant 0 : index
    %get3A_19 = vector.load %arg6[%get3A_17, %get3A_18] : memref<64x64xf32, #tpu.memory_space<vmem>>, vector<64x64xf32>
    %dot_general3A_20 = arith.constant dense<0.000000e+00> : vector<128x64xf32>
    %dot_general3A_21 = tpu.matmul %dot_general3A_16, %get3A_19, %dot_general3A_20 {dimension_numbers = #tpu.dot_dimension_numbers<[1], [0], [0], [1], [0, 0, 1, 1], [], []>, transpose_lhs_hint = false} : vector<128x64xf32>, vector<64x64xf32>, vector<128x64xf32> -> vector<128x64xf32>
    %get3A_22 = arith.constant 0 : index
    %get3A_23 = arith.constant 0 : index
    %get3A_24 = vector.load %arg3[%get3A_22, %get3A_23] : memref<128x1xf32, #tpu.memory_space<vmem>>, vector<128x1xf32>
    %div3A = vector.broadcast %get3A_24 : vector<128x1xf32> to vector<128x64xf32>
    %div3A_25 = arith.divf %dot_general3A_21, %div3A : vector<128x64xf32>
    %get3A_26 = arith.constant 0 : index
    %get3A_27 = arith.constant 0 : index
    %get3A_28 = vector.load %arg7[%get3A_26, %get3A_27] : memref<1x64xf32, #tpu.memory_space<vmem>>, vector<1x64xf32>
    %add3A_29 = vector.broadcast %get3A_28 : vector<1x64xf32> to vector<128x64xf32>
    %add3A_30 = arith.addf %div3A_25, %add3A_29 : vector<128x64xf32>
    %swap3A = arith.constant 0 : index
    %swap3A_31 = arith.constant 0 : index
    %swap3A_32 = vector.load %arg8[%swap3A, %swap3A_31] : memref<128x64xf32, #tpu.memory_space<vmem>>, vector<128x64xf32>
    tpu.vector_store %arg8[%swap3A, %swap3A_31], %add3A_30 {strides = array<i32>} : memref<128x64xf32, #tpu.memory_space<vmem>>, vector<128x64xf32>,
    return
  }
  func.func @transform_0(%arg0: i32) -> (i32, i32) {
    %c0_i32 = arith.constant 0 : i32
    %c0_i32_0 = arith.constant 0 : i32
    return %arg0, %c0_i32 : i32, i32
  }
  func.func @transform_1(%arg0: i32) -> (i32, i32) {
    %c0_i32 = arith.constant 0 : i32
    %c0_i32_0 = arith.constant 0 : i32
    %c0_i32_1 = arith.constant 0 : i32
    return %c0_i32, %c0_i32_0 : i32, i32
  }
  func.func @transform_2(%arg0: i32) -> (i32, i32) {
    %c0_i32 = arith.constant 0 : i32
    %c0_i32_0 = arith.constant 0 : i32
    return %arg0, %c0_i32 : i32, i32
  }
  func.func @transform_3(%arg0: i32) -> (i32, i32) {
    %c0_i32 = arith.constant 0 : i32
    %c0_i32_0 = arith.constant 0 : i32
    %c0_i32_1 = arith.constant 0 : i32
    return %c0_i32, %c0_i32_0 : i32, i32
  }
  func.func @transform_4(%arg0: i32) -> (i32, i32) {
    %c0_i32 = arith.constant 0 : i32
    %c0_i32_0 = arith.constant 0 : i32
    %c0_i32_1 = arith.constant 0 : i32
    return %c0_i32, %c0_i32_0 : i32, i32
  }
  func.func @transform_5(%arg0: i32) -> (i32, i32) {
    %c0_i32 = arith.constant 0 : i32
    %c0_i32_0 = arith.constant 0 : i32
    %c0_i32_1 = arith.constant 0 : i32
    return %c0_i32, %c0_i32_0 : i32, i32
  }
  func.func @transform_6(%arg0: i32) -> (i32, i32) {
    %c0_i32 = arith.constant 0 : i32
    %c0_i32_0 = arith.constant 0 : i32
    %c0_i32_1 = arith.constant 0 : i32
    return %c0_i32, %c0_i32_0 : i32, i32
  }
  func.func @transform_7(%arg0: i32) -> (i32, i32) {
    %c0_i32 = arith.constant 0 : i32
    %c0_i32_0 = arith.constant 0 : i32
    return %arg0, %c0_i32 : i32, i32
  }
}

</mosaic_0001>

<sc_bundles>
// kernel: kernel.5.cloned.1.call-start
scs
__scs_entry_jumppad:
0x0: {  	(pc) =	sbr.rel $0x88, $3  }
0x1: {  	(tag) =	ssettag $0x0;
	lr =	simm.s32 $0x1  }
0x2: {  	[smem:$0x3F9A] =	sst lr;
	_ =	strace $0xD0000000  }
0x3: {  	_ = 	snop  }
0x4: {  	_ = 	snop  }
0x5: {  	_ = 	snop  }
0x6: {  	_ = 	snop  }
0x7: {  	_ = 	snop  }
__scs_overlays_trampoline_lowered:
0x8: {  	[smem:$0x3FA9] =	sst s0  }
0x9: {  	[smem:$0x3FAA] =	sst s1  }
0xa: {  	[smem:$0x3FAB] =	sst s2  }
0xb: {  	[smem:$0x3FAC] =	sst s3  }
0xc: {  	[smem:$0x3FAD] =	sst s4  }
0xd: {  	[smem:$0x3FAE] =	sst s5  }
0xe: {  	[smem:$0x3FAF] =	sst s6  }
0xf: {  	[smem:$0x3FB0] =	sst s7  }
0x10: {  	[smem:$0x3FB1] =	sst s8  }
0x11: {  	[smem:$0x3FB2] =	sst s9;
	s0 =	simm.s32 @!p0 $0x0  }
0x12: {  	s1 =	sld [smem:$0x3F98];
	s0 =	simm.s32 @p0 $0x1  }
0x13: {  	[smem:$0x3FB3] =	sst s0;
	s0 =	simm.s32 @!p1 $0x0  }
0x14: {  	s2 =	sld [smem:$0x3F97];
	s0 =	simm.s32 @p1 $0x1  }
0x15: {  	[smem:$0x3FB4] =	sst s0;
	s0 =	simm.s32 @!p2 $0x0  }
0x16: {  	s3 =	sld [smem:$0x3FDB];
	s0 =	simm.s32 @p2 $0x1  }
0x17: {  	s4 =	simm.s32 $0x1BF5;
	[smem:$0x3FB6] =	sst s0  }
0x18: {  	s0 =	sld [smem:$0x3F99];
	_ =	swait.ge [sflag:s4], $0x0  }
0x19: {  	s7 =	sld [smem:$0x3F9A]  }
0x1a: {  	s8 =	sadd.s32 $0xFFFFE003, lr  }
0x1b: {  	s9 =	sadd.s32 $0xFFFFFEF7, lr;
	s5 =	simm.s32 $0xFFFFFFFF;
	p2 =	slt.u32 s8, $0xFFFFF086  }
0x1c: {  	p1 =	slt.u32 s9, $0xF7A;
	s5 =	simm.s32 @!p2 $0x0  }
0x1d: {  	s5 =	simm.s32 @p1 $0x1;
	p0 =	seq.s32 s7, s2  }
0x1e: {  	s7 =	smul.u32 @!p0 $0xF7A, s2;
	p2 =	seq.s32 @!p0 s5, $0x0  }
0x1f: {  	s9 =	smul.u32 $0xF7A, s1;
	s8 =	simm.s32 @!p0 $0x1BF5;
	p2 =	por !p2, p0  }
0x20: {  	[sflag:s8] =	ssyncset.s32 @!p0 $0xFFFFF086;
	s6 =	sadd.s32 @!p0 s3, s7;
	s7 =	simm.s32 @!p0 $0x108  }
0x21: {  	s3 =	sadd.s32 s3, s9;
	s6 =	sadd.s32 @!p0 $0x88, s6;
	s7 =	simm.s32 @p2 $0x1082  }
0x22: {  	[simem:s7], [sflag:s8] =	dma.local @!p0 [hbm:s6], $0xF7A  }
0x23: {  	s9 =	sor.u32 $0xD0000000, s2;
	s6 =	simm.s32 $0x108;
	_ =	swait.ge @!p0 [sflag:s8], $0x0  }
0x24: {  	s3 =	sadd.s32 $0x88, s3;
	s6 =	simm.s32 @!p1 $0x1082;
	[sflag:s4] =	ssyncset.s32 $0xFFFFF086  }
0x25: {  	[simem:s6], [sflag:s4] =	dma.local [hbm:s3], $0xF7A  }
0x26: {  	[smem:$0x3F9A] =	sst s1;
	(tag) =	ssettag s2;
	_ =	strace s9  }
0x27: {  	s1 =	sld [smem:$0x3FAA]  }
0x28: {  	s2 =	sld [smem:$0x3FAB]  }
0x29: {  	s4 =	sld [smem:$0x3FAD]  }
0x2a: {  	p0 =	seq.s32 s5, $0x0;
	s5 =	sld [smem:$0x3FAE]  }
0x2b: {  	s6 =	sld [smem:$0x3FAF]  }
0x2c: {  	s7 =	sld [smem:$0x3FB0]  }
0x2d: {  	s3 =	simm.s32 $0x108;
	s8 =	sld [smem:$0x3FB1]  }
0x2e: {  	s3 =	simm.s32 @!p0 $0x1082;
	s9 =	sld [smem:$0x3FB2]  }
0x2f: {  	lr =	sadd.s32 s0, s3;
	s0 =	sld [smem:$0x3FA9]  }
0x30: {  	s3 =	sld [smem:$0x3FAC]  }
0x31: {  	[smem:$0x3FB5] =	sst s10  }
0x32: {  	s10 =	sld [smem:$0x3FB3];
	_ =	sdelay $0x3  }
0x33: {  	p0 =	seq.s32 s10, $0x1;
	s10 =	sld [smem:$0x3FB5];
	_ =	sdelay $0x3  }
0x34: {  	[smem:$0x3FB5] =	sst s10  }
0x35: {  	s10 =	sld [smem:$0x3FB4];
	_ =	sdelay $0x3  }
0x36: {  	p1 =	seq.s32 s10, $0x1;
	s10 =	sld [smem:$0x3FB5];
	_ =	sdelay $0x3  }
0x37: {  	[smem:$0x3FB5] =	sst s10  }
0x38: {  	s10 =	sld [smem:$0x3FB6]  }
0x39: {  	_ = 	snop;
	(pc) =	sbr.ind lr, $3  }
0x3a: {  	_ = 	snop  }
0x3b: {  	_ = 	snop  }
0x3c: {  	p2 =	seq.s32 s10, $0x1;
	s10 =	sld [smem:$0x3FB5]  }
0x3d: {  	_ =	shalt  }
0x3e: {  	_ =	shalt  }
0x3f: {  	_ =	shalt  }
0x40: {  	_ =	shalt  }
0x41: {  	_ =	shalt  }
0x42: {  	_ =	shalt  }
0x43: {  	_ =	shalt  }
0x44: {  	_ =	shalt  }
0x45: {  	_ =	shalt  }
0x46: {  	_ =	shalt  }
0x47: {  	_ =	shalt  }
0x48: {  	_ =	shalt  }
0x49: {  	_ =	shalt  }
0x4a: {  	_ =	shalt  }
0x4b: {  	_ =	shalt  }
0x4c: {  	_ =	shalt  }
0x4d: {  	_ =	shalt  }
0x4e: {  	_ =	shalt  }
0x4f: {  	_ =	shalt  }
0x50: {  	_ =	shalt  }
0x51: {  	_ =	shalt  }
0x52: {  	_ =	shalt  }
0x53: {  	_ =	shalt  }
0x54: {  	_ =	shalt  }
0x55: {  	_ =	shalt  }
0x56: {  	_ =	shalt  }
0x57: {  	_ =	shalt  }
0x58: {  	_ =	shalt  }
0x59: {  	_ =	shalt  }
0x5a: {  	_ =	shalt  }
0x5b: {  	_ =	shalt  }
0x5c: {  	_ =	shalt  }
0x5d: {  	_ =	shalt  }
0x5e: {  	_ =	shalt  }
0x5f: {  	_ =	shalt  }
0x60: {  	_ =	shalt  }
0x61: {  	_ =	shalt  }
0x62: {  	_ =	shalt  }
0x63: {  	_ =	shalt  }
0x64: {  	_ =	shalt  }
0x65: {  	_ =	shalt  }
0x66: {  	_ =	shalt  }
0x67: {  	_ =	shalt  }
0x68: {  	_ =	shalt  }
0x69: {  	_ =	shalt  }
0x6a: {  	_ =	shalt  }
0x6b: {  	_ =	shalt  }
0x6c: {  	_ =	shalt  }
0x6d: {  	_ =	shalt  }
0x6e: {  	_ =	shalt  }
0x6f: {  	_ =	shalt  }
0x70: {  	_ =	shalt  }
0x71: {  	_ =	shalt  }
0x72: {  	_ =	shalt  }
0x73: {  	_ =	shalt  }
0x74: {  	_ =	shalt  }
0x75: {  	_ =	shalt  }
0x76: {  	_ =	shalt  }
0x77: {  	_ =	shalt  }
0x78: {  	_ =	shalt  }
0x79: {  	_ =	shalt  }
0x7a: {  	_ =	shalt  }
0x7b: {  	_ =	shalt  }
0x7c: {  	_ =	shalt  }
0x7d: {  	_ =	shalt  }
0x7e: {  	_ =	shalt  }
0x7f: {  	_ =	shalt  }
0x80: {  	_ =	shalt  }
0x81: {  	_ =	shalt  }
0x82: {  	_ =	shalt  }
0x83: {  	_ =	shalt  }
0x84: {  	_ =	shalt  }
0x85: {  	_ =	shalt  }
0x86: {  	_ =	shalt  }
0x87: {  	_ =	shalt  }
.Lfunc_end0:
.L_simem_size_0:
called_computation_lowered:
.L_overlay_start_0:
0x88: {  	s2 =	sld [smem:$0x3FD9]  }
0x89: {  	s3 =	sld [smem:$0x3FFE];
	_ =	sdelay $0x1  }
0x8a: {  	s1 =	srdreg.scid  }
0x8b: {  	s0 =	sand.u32 $0x1, s1  }
0x8c: {  	s17 =	sshll.u32 s0, $0xA;
	s2 =	sadd.s32 s3, s2  }
0x8d: {  	s2 =	sadd.s32 s2, s17  }
0x8e: {  	[smem:$0x3FC1] =	sst s2  }
0x8f: {  	_ = 	snop  }
0x90: {  	s2 =	sld [smem:$0x3FD0];
	(tm) =	ssettm $0x1  }
0x91: {  	s18 =	sld [smem:$0x3FFB];
	_ =	sdelay $0x3  }
0x92: {  	_ =	strace s18  }
0x93: {  	s3 =	sld [smem:$0x3FFC];
	_ =	sdelay $0x3  }
0x94: {  	_ =	strace s3  }
0x95: {  	s3 =	sld [smem:$0x3FFD];
	_ =	sdelay $0x3  }
0x96: {  	_ =	strace s3  }
0x97: {  	_ =	strace $0x8FFFFFFF  }
0x98: {  	s19 =	sld [smem:$0x3FDB];
	_ =	sdelay $0x1  }
0x99: {  	s4 =	simm.s32 $_scs_section_size  }
0x9a: {  	s5 =	simm.s32 $_size__tile_overlayer_lowered;
	s6 =	simm.s32 $_tile_overlayer_lowered  }
0x9b: {  	s22 =	simm.s32 $0x1BFF;
	s21 =	sshll.u32 s6, $0x1;
	s3 =	sadd.s32 s4, s19  }
0x9c: {  	s7 =	simm.s32 $0x0;
	s20 =	sshll.u32 s5, $0x1;
	s5 =	sadd.s32 s21, s3  }
0x9d: {  	[timem:s7], [sflag:s22] =	dma.local [hbm:s5], s20  }
0x9e: {  	_ =	swait.ge [sflag:s22], s20  }
0x9f: {  	s4 =	ssub.s32 $0x0, s20;
	[sflag:s22] =	ssyncset.done $0x0  }
0xa0: {  	[sflag:s22] =	ssyncadd.s32 s4;
	_ =	sdelay $0x1  }
0xa1: {  	s23 =	simm.s32 $0x1B8B  }
0xa2: {  	_ =	swait.ge [sflag:s23], $0x1  }
0xa3: {  	[sflag:s23] =	ssyncset.done $0x0  }
0xa4: {  	s25 =	simm.s32 $0x1B8E;
	s24 =	sld [smem:$0x3FFE];
	[sflag:s23] =	ssyncadd.s32 $0xFFFFFFFF  }
0xa5: {  	s26 =	simm.s32 $execute0_lowered;
	[smem:$0x3FD2] =	sst s25  }
0xa6: {  	s5 =	sshll.u32 s26, $0x1;
	_ =	strace $0x80000046;
	[dreg:$0x1] =	wrdreg $0xFFFFFFFF  }
0xa7: {  	s28 =	simm.s32 $_size_execute0_lowered;
	s3 =	sadd.s32 s3, s5;
	[dreg:$0x0] =	wrdreg $0x0  }
0xa8: {  	s5 =	sshll.u32 s28, $0x1;
	[dreg:$0x2] =	wrdreg s3  }
0xa9: {  	[dreg:$0x3] =	wrdreg s5  }
0xaa: {  	[dreg:$0x4] =	wrdreg $0xC0  }
0xab: {  	_ =	task [dreg:s7], $0x5FFFF  }
0xac: {  	[dreg:$0x1] =	wrdreg $0xFFFFFFFF  }
0xad: {  	[dreg:$0x0] =	wrdreg $0x60  }
0xae: {  	[dreg:$0x2] =	wrdreg s2  }
0xaf: {  	[dreg:$0x3] =	wrdreg s24  }
0xb0: {  	[dreg:$0x4] =	wrdreg $0x9  }
0xb1: {  	_ =	task.clear_ibuf [dreg:s7], $0x5FFFF;
	_ =	strace $0x90000046  }
0xb2: {  	s29 =	simm.s32 $0x9;
	_ =	strace $0x80000048  }
0xb3: {  	_ =	swait.ge [sflag:s29], $0x1  }
0xb4: {  	[sflag:s29] =	ssyncadd.s32 $0xFFFFFFFF  }
0xb5: {  	_ =	strace $0x90000048  }
0xb6: {  	_ =	sfence  }
0xb7: {  	s30 =	sld [smem:$0x0];
	_ =	sdelay $0x2  }
0xb8: {  	s31 =	sshll.u32 s1, $0xD;
	s1 =	sshrl.u32 s1, $0x2  }
0xb9: {  	s3 =	sand.u32 $0x4000, s31;
	s1 =	sadd.s32 s1, s30  }
0xba: {  	s0 =	sor.u32 s3, s0;
	s1 =	sshll.u32 s1, $0x11  }
0xbb: {  	s0 =	sor.u32 s1, s0  }
0xbc: {  	s0 =	sadd.s32 $0x8F2B, s0  }
0xbd: {  	[sflag:s0] =	ssyncadd.remote.s32 $0x1  }
0xbe: {  	_ =	sfence.sel $0xFFFF  }
0xbf: {  	[dreg:$0x0] =	wrdreg $0xFFFFFFFF;
	(pc) =	sbr.abs _section_cstart, $3  }
0xc0: {  	[dreg:$0x1] =	wrdreg $0xFFFFFFFF  }
0xc1: {  	_ =	task.clear_ibuf [dreg:s7], $0x2FFFF;
	_ =	strace $0x9FFFFFFF  }
0xc2: {  	(tm) =	ssettm $0x7FFFFFFF  }
0xc3: {  	_ =	shalt  }
tec
execute0_lowered:
.L_overlay_start_1:
0x0: {  	(tag) =	ssettag $0x1  }
0x1: {  	s4 =	rddreg [dreg:$0x0]  }
0x2: {  	s5 =	rddreg [dreg:$0x1]  }
0x3: {  	s0 =	rddreg [dreg:$0x2];
	s2 =	simm.s32 $0x0  }
0x4: {  	s3 =	srdreg.scid;
	s1 =	stileid.u32;
	s15 =	simm.s32 $0x1  }
0x5: {  	s16 =	simm.s32 $0x2;
	s17 =	simm.s32 $0x0;
	s13 =	smul.u32 $0x32000, s1  }
0x6: {  	[smem:$0x7FF] =	sst s2;
	s7 =	sshrl.u32 s1, $0x2;
	s25 =	smul.u32 $0x190000, s1  }
0x7: {  	s6 =	sand.u32 $0x1, s3;
	s22 =	sshll.u32 s1, $0x1;
	s7 =	smul.u32 $0xC800, s7  }
0x8: {  	s3 =	sadd.s32 $0x1000, s5;
	s9 =	sadd.s32 $0xF43400, s5;
	s24 =	smul.u32 $0x19000, s6  }
0x9: {  	_ =	strace $0x80000047;
	s8 =	sor.u32 s6, s22;
	s14 =	smul.u32 $0xC8000, s6  }
0xa: {  	s10 =	ssub.s32 $0x2, s6;
	s23 =	smul.u32 $0xC8000, s8;
	s11 =	sshll.u32 s8, $0x7  }
0xb: {  	s8 =	smul.u32 $0x19000, s8;
	s12 =	sshrl.u32 s10, $0x1;
	s28 =	sadd.s32 s13, s9  }
0xc: {  	s13 =	simm.s32 $0x1900;
	s11 =	sand.u32 $0x380, s11;
	s10 =	ssub.s32 s10, s12  }
0xd: {  	s29 =	sadd.s32 s24, s28;
	s30 =	sadd.s32 s14, s25;
	s12 =	simm.s32 $0x3  }
0xe: {  	s14 =	simm.s32 $0x5900;
	s7 =	sor.u32 s7, s11;
	s5 =	sshrl.u32 s23, $0x3  }
0xf: {  	s8 =	sadd.s32 s8, s9;
	s31 =	sshrl.u32 s30, $0x3;
	s11 =	simm.s32 $0x400  }
0x10: {  	s7 =	sshrl.u32 s7, $0x3;
	s26 =	sadd.s32 s9, s5;
	s5 =	smax.u32 s10, $0x1  }
0x11: {  	s9 =	sadd.s32 s31, s9;
	s10 =	simm.s32 $0x80;
	s4 =	sadd.s32 s4, s7  }
0x12: {  	s6 =	sadd.s32 $0x18000, s26;
	s7 =	sadd.s32 $0x18800, s8;
	s8 =	sadd.s32 $0x800, s29  }
.LBB2_1:
0x13: {  	[tilespmem:s2], [sflag:$0x3] =	stream.strided.gather [hbm4b:s4+s10], $0x1900, s11, s10, $0x38;
	[tilespmem:$0x9900] =	vst v63  }
0x14: {  	_ =	swait.ge [sflag:s12], $0x1900  }
0x15: {  	[sflag:s12] =	ssyncset.done $0x0  }
0x16: {  	[sflag:s12] =	ssyncadd.s32 $0xFFFFE700  }
0x17: {  	[tilespmem:s13], [sflag:$0x1] =	stream.indirect.gather [hbm4b:s3+s10], $0x80, s2, s10, $0xb8;
	[tilespmem:$0x9900] =	vst v63  }
0x18: {  	_ = 	snop  }
0x19: {  	[tilespmem:s14], [sflag:$0x2] =	stream.indirect.gather [hbm4b:s3+s10], $0x80, s10, s10, $0xb8;
	[tilespmem:$0x9900] =	vst v63  }
0x1a: {  	_ =	swait.ge [sflag:s15], $0x4000  }
0x1b: {  	[sflag:s15] =	ssyncset.done $0x0  }
0x1c: {  	s18 =	sadd.s32 $0x0, s9;
	[sflag:s15] =	ssyncadd.s32 $0xFFFFC000  }
0x1d: {  	[hbm4b:s18+s2] =	stream.linear.scatter [tilespmem:s13], [sflag:$0x3], $0x4000, $0x38;
	[tilespmem:$0x9900] =	vst v63  }
0x1e: {  	_ =	swait.ge [sflag:s12], $0x4000  }
0x1f: {  	[sflag:s12] =	ssyncset.done $0x0  }
0x20: {  	s30 =	simm.s32 $0x100;
	[sflag:s12] =	ssyncadd.s32 $0xFFFFC000  }
0x21: {  	[tilespmem:s13], [sflag:$0x1] =	stream.indirect.gather [hbm4b:s3+s10], $0x80, s30, s10, $0xb8;
	[tilespmem:$0x9900] =	vst v63  }
0x22: {  	_ =	swait.ge [sflag:s16], $0x4000  }
0x23: {  	[sflag:s16] =	ssyncset.done $0x0  }
0x24: {  	s31 =	sadd.s32 $0x0, s8;
	[sflag:s16] =	ssyncadd.s32 $0xFFFFC000  }
0x25: {  	[hbm4b:s31+s2] =	stream.linear.scatter [tilespmem:s14], [sflag:$0x3], $0x4000, $0x38;
	[tilespmem:$0x9900] =	vst v63  }
0x26: {  	_ =	swait.ge [sflag:s12], $0x4000  }
0x27: {  	s19 =	simm.s32 $0x1000;
	[sflag:s12] =	ssyncset.done $0x0  }
0x28: {  	s20 =	simm.s32 $0x280;
	s18 =	simm.s32 $0x180;
	[sflag:s12] =	ssyncadd.s32 $0xFFFFC000  }
.LBB2_2:
0x29: {  	[tilespmem:s14], [sflag:$0x2] =	stream.indirect.gather [hbm4b:s3+s10], $0x80, s18, s10, $0xb8;
	[tilespmem:$0x9900] =	vst v63  }
0x2a: {  	s21 =	smov.u32 s19;
	s18 =	smov.u32 s20  }
0x2b: {  	p0 =	sne.s32 s19, $0x17000;
	s19 =	sadd.s32 $0x1000, s19;
	_ =	swait.ge [sflag:s15], $0x4000  }
0x2c: {  	[sflag:s15] =	ssyncset.done $0x0  }
0x2d: {  	s22 =	sadd.s32 s21, s9;
	[sflag:s15] =	ssyncadd.s32 $0xFFFFC000  }
0x2e: {  	[hbm4b:s22+s2] =	stream.linear.scatter [tilespmem:s13], [sflag:$0x3], $0x4000, $0x38;
	[tilespmem:$0x9900] =	vst v63  }
0x2f: {  	_ =	swait.ge [sflag:s12], $0x4000  }
0x30: {  	[sflag:s12] =	ssyncset.done $0x0  }
0x31: {  	s22 =	sadd.s32 $0xFFFFFF80, s20;
	[sflag:s12] =	ssyncadd.s32 $0xFFFFC000  }
0x32: {  	[tilespmem:s13], [sflag:$0x1] =	stream.indirect.gather [hbm4b:s3+s10], $0x80, s22, s10, $0xb8;
	[tilespmem:$0x9900] =	vst v63  }
0x33: {  	_ =	swait.ge [sflag:s16], $0x4000  }
0x34: {  	[sflag:s16] =	ssyncset.done $0x0  }
.Ltmp0:
0x35: {  	s21 =	sadd.s32 s21, s8;
	[sflag:s16] =	ssyncadd.s32 $0xFFFFC000;
	(pc) =	sbr.rel @p0 .LBB2_2-.Ltmp0, $4  }
0x36: {  	[hbm4b:s21+s2] =	stream.linear.scatter [tilespmem:s14], [sflag:$0x3], $0x4000, $0x38;
	[tilespmem:$0x9900] =	vst v63  }
0x37: {  	_ =	swait.ge [sflag:s12], $0x4000  }
0x38: {  	[sflag:s12] =	ssyncset.done $0x0  }
0x39: {  	s20 =	sadd.s32 $0x100, s20;
	[sflag:s12] =	ssyncadd.s32 $0xFFFFC000  }
0x3a: {  	[tilespmem:s14], [sflag:$0x2] =	stream.indirect.gather [hbm4b:s3+s10], $0x80, s18, s10, $0xb8;
	[tilespmem:$0x9900] =	vst v63  }
0x3b: {  	_ =	swait.ge [sflag:s15], $0x4000  }
0x3c: {  	[sflag:s15] =	ssyncset.done $0x0  }
0x3d: {  	[sflag:s15] =	ssyncadd.s32 $0xFFFFC000  }
0x3e: {  	[hbm4b:s6+s2] =	stream.linear.scatter [tilespmem:s13], [sflag:$0x3], $0x4000, $0x38;
	[tilespmem:$0x9900] =	vst v63  }
0x3f: {  	_ =	swait.ge [sflag:s12], $0x4000  }
0x40: {  	[sflag:s12] =	ssyncset.done $0x0  }
0x41: {  	[sflag:s12] =	ssyncadd.s32 $0xFFFFC000  }
0x42: {  	s17 =	sadd.s32 $0x1, s17;
	_ =	swait.ge [sflag:s16], $0x4000  }
0x43: {  	p0 =	sne.s32 s17, s5;
	[sflag:s16] =	ssyncset.done $0x0  }
.Ltmp1:
0x44: {  	[sflag:s16] =	ssyncadd.s32 $0xFFFFC000;
	(pc) =	sbr.rel @p0 .LBB2_1-.Ltmp1, $4  }
0x45: {  	[hbm4b:s7+s2] =	stream.linear.scatter [tilespmem:s14], [sflag:$0x3], $0x4000, $0x38;
	[tilespmem:$0x9900] =	vst v63  }
0x46: {  	_ =	swait.ge [sflag:s12], $0x4000  }
0x47: {  	[sflag:s12] =	ssyncset.done $0x0  }
0x48: {  	[sflag:s12] =	ssyncadd.s32 $0xFFFFC000  }
0x49: {  	_ =	sfence.sel $0x180000  }
0x4a: {  	[bflag:$0x0] =	sbarrier.arrive $0xFFFF  }
0x4b: {  	p0 =	sne.s32 s1, $0x0;
	_ =	strace $0x90000047  }
0x4c: {  	s0 =	sadd.s32 @!p0 $0x100000, s0;
	[bflag:$0x2] =	sbarrier.arrive $0xFFFF  }
0x4d: {  	[sflag:s0] =	ssyncadd.tile.s32 @!p0 $0x1;
	_ =	shalt  }
.Lfunc_end2:
_tile_overlayer_lowered:
.L_overlay_start_2:
0x4e: {  	(tag) =	ssettag $0x2  }
0x4f: {  	s0 =	rddreg [dreg:$0x0];
	s2 =	stileid.u32  }
0x50: {  	s1 =	rddreg [dreg:$0x1];
	p0 =	sne.s32 s2, $0x0  }
0x51: {  	s3 =	rddreg [dreg:$0x2];
	[bflag:$0x3] =	sbarrier.arrive $0xFFFF;
	s2 =	simm.s32 @!p0 $0x1C03  }
0x52: {  	[timem:s3], [sflag:s2] =	dma.local @!p0 [hbm:s0], s1  }
0x53: {  	s0 =	simm.s32 @!p0 $0x3  }
0x54: {  	_ =	swait.ge @!p0 [sflag:s0], s1  }
0x55: {  	s1 =	ssub.s32 @!p0 $0x0, s1;
	[sflag:s0] =	ssyncset.done @!p0 $0x0  }
0x56: {  	[sflag:s0] =	ssyncadd.s32 @!p0 s1  }
0x57: {  	[bflag:$0x3] =	sbarrier.arrive $0xFFFF  }
0x58: {  	_ =	shalt  }

</sc_bundles>
